<compile_context>
chip_gen: v7x
topology: tpu7x:2x2x1
jax: 0.10.2.dev20260603
libtpu: 0.0.44.dev20260713+nightly
codegen_flags: <defaults>
</compile_context>

<pallas_src>
import functools

import jax
import jax.numpy as jnp
from jax import lax
from jax.experimental import pallas as pl
from jax.experimental.pallas import tpu as pltpu
from jax.experimental.pallas import tpu_sc as plsc

ALPHA = 32.0


def _sc_gather(table, flat_len, inner):
    n, d = flat_len.shape[0], table.shape[1]
    info = plsc.get_sparse_core_info()
    num_cores = 1
    nw = num_cores * info.num_subcores
    lanes = info.num_lanes
    n_per_w = n // nw
    mesh = plsc.VectorSubcoreMesh(
        core_axis_name="c", subcore_axis_name="s", num_cores=num_cores
    )

    @functools.partial(
        pl.kernel,
        mesh=mesh,
        out_type=jax.ShapeDtypeStruct((n, d), jnp.float32),
        scratch_types=[
            pltpu.VMEM((n_per_w,), jnp.int32),
            pltpu.VMEM((n_per_w, d), jnp.float32),
        ]
        + [pltpu.SemaphoreType.DMA] * (n_per_w // 16)
        + [pltpu.SemaphoreType.DMA],
    )
    def gather_kernel(table_hbm, len_hbm, out_hbm, len_v, rows_v, *sems):
        in_sems, out_sem = sems[:-1], sems[-1]
        wid = lax.axis_index("s") * num_cores + lax.axis_index("c")
        base = wid * n_per_w
        pltpu.sync_copy(len_hbm.at[pl.ds(base, n_per_w)], len_v)
        copies = []
        for j in range(n_per_w // lanes):
            row0 = base + j * lanes
            idx = (row0 + lax.iota(jnp.int32, 16)) * inner + len_v[
                pl.ds(j * lanes, lanes)
            ]
            copies.append(
                pltpu.async_copy(
                    table_hbm.at[idx],
                    rows_v.at[pl.ds(j * lanes, lanes)],
                    in_sems[j],
                )
            )
        outs = []
        for j, c in enumerate(copies):
            c.wait()
            outs.append(
                pltpu.async_copy(
                    rows_v.at[pl.ds(j * lanes, lanes)],
                    out_hbm.at[pl.ds(base + j * lanes, lanes)],
                    out_sem,
                )
            )
        for c in outs:
            c.wait()

    return gather_kernel(table, flat_len)


def _tc_lora_linear(x, w, b2d, lora_a, lora_b, scaling):
    n, d = x.shape

    def body(x_ref, w_ref, b_ref, a_ref, bb_ref, o_ref):
        m = w_ref[:] + scaling * jnp.dot(
            bb_ref[:], a_ref[:], preferred_element_type=jnp.float32
        )
        o_ref[:] = (
            lax.dot_general(
                x_ref[:], m, (((1,), (1,)), ((), ())),
                preferred_element_type=jnp.float32,
            )
            + b_ref[:]
        )

    return pl.pallas_call(
        body,
        out_shape=jax.ShapeDtypeStruct((n, d), jnp.float32),
    )(x, w, b2d, lora_a, lora_b)


def kernel(ffn_out, lengths, W, b, lora_A, lora_B):
    bsz, s, i, d = ffn_out.shape
    r = lora_A.shape[0]
    scaling = ALPHA / r

    table = ffn_out.reshape(bsz * s * i, d)
    x = _sc_gather(table, lengths.reshape(-1).astype(jnp.int32), i)
    out = _tc_lora_linear(x, W, b.reshape(1, d), lora_A, lora_B, scaling)
    return out.reshape(bsz, s, d)

# --- scband reference (transcript-rebuilt; emitter-appended) ---
"""Pipeline reference for scband-seq-rec-model-79508434584150 (READ-ONLY COPY).

The authoritative reference and input builder live on the scoring server;
editing this copy changes nothing except your own understanding.
"""

import jax, jax.numpy as jnp
import numpy as np

B, S, I, D = 16, 64, 64, 256
R = 4
ALPHA = 32.0

def setup_inputs(seed: int = 0) -> dict:
    key = jax.random.key(seed)
    ks = jax.random.split(key, 6)
    ffn_out = jax.random.normal(ks[0], (B, S, I, D), dtype=jnp.float32)
    # last valid interaction index per (user, session); session valid length = lengths+1 in [1, I]
    lengths = jax.random.randint(ks[1], (B, S), 0, I)
    W = jax.random.normal(ks[2], (D, D), dtype=jnp.float32) * 0.02
    b = jnp.zeros((D,), dtype=jnp.float32)
    lora_A = jax.random.normal(ks[3], (R, D), dtype=jnp.float32) * 0.01
    lora_B = jax.random.normal(ks[4], (D, R), dtype=jnp.float32) * 0.01
    return {"ffn_out": ffn_out, "lengths": lengths, "W": W, "b": b, "lora_A": lora_A, "lora_B": lora_B}

def reference(ffn_out, lengths, W, b, lora_A, lora_B):
    # LoRALinear applied to every token: out = x W^T + b + (alpha/r) * (x A^T) B^T
    scaling = ALPHA / lora_A.shape[0]
    h = jnp.einsum('bsid,od->bsio', ffn_out, W) + b
    lora_up = jnp.einsum('bsid,rd->bsir', ffn_out, lora_A)
    h = h + scaling * jnp.einsum('bsir,or->bsio', lora_up, lora_B)
    # select_target_features_flat with strategy 'EachSession_LastInter':
    # valid_mask[b,s,i] = (i <= lengths[b,s]) so every session is non-empty and the
    # last valid interaction index is exactly lengths[b,s]; L_max = S, no padding.
    idx = lengths[:, :, None, None]  # [B, S, 1, 1]
    sel = jnp.take_along_axis(h, idx, axis=2)  # [B, S, 1, D]
    return sel[:, :, 0, :]  # [B, S, D]

if __name__ == "__main__":
    import jax
    _d = setup_inputs()
    print(jax.jit(kernel)(*tuple(_d.values())))

</pallas_src>

<mosaic_0001>
#map = affine_map<(d0, d1) -> (0, 0)>
#map1 = affine_map<(d0, d1) -> (0)>
module attributes {stable_mosaic.version = 14 : i64} {
  func.func @gather_kernel(%arg0: i32, %arg1: i32, %arg2: memref<65536x256xf32, #tpu.memory_space<hbm>>, %arg3: memref<1024xi32, #tpu.memory_space<hbm>>, %arg4: memref<1024x256xf32, #tpu.memory_space<hbm>>, %arg5: memref<64xi32, #tpu.memory_space<vmem>>, %arg6: memref<64x256xf32, #tpu.memory_space<vmem>>, %arg7: memref<!tpu.dma_semaphore, #tpu.memory_space<semaphore_mem>>, %arg8: memref<!tpu.dma_semaphore, #tpu.memory_space<semaphore_mem>>, %arg9: memref<!tpu.dma_semaphore, #tpu.memory_space<semaphore_mem>>, %arg10: memref<!tpu.dma_semaphore, #tpu.memory_space<semaphore_mem>>, %arg11: memref<!tpu.dma_semaphore, #tpu.memory_space<semaphore_mem>>) attributes {dimension_semantics = [#tpu.dimension_semantics<core_parallel>, #tpu.dimension_semantics<subcore_parallel>], iteration_bounds = array<i64: 1, 16>, scalar_prefetch = 0 : i64, scratch_operands = 7 : i64, tpu.core_type = #tpu.core_type<sc_vector_subcore>, window_params = [{transform_indices = #map}, {transform_indices = #map1}, {transform_indices = #map}]} {
    %mul3A = arith.constant 1 : i32
    %mul3A_0 = arith.muli %arg1, %mul3A : i32
    %add3A = arith.addi %mul3A_0, %arg0 : i32
    %mul3A_1 = arith.constant 64 : i32
    %mul3A_2 = arith.muli %add3A, %mul3A_1 : i32
    "tpu.region"() ({
      %run_scoped3A = tpu.sem_alloc : memref<!tpu.dma_semaphore, #tpu.memory_space<semaphore_mem>>
      %dma_start3A_183 = tpu.memref_slice %arg3[%mul3A_2] : memref<1024xi32, #tpu.memory_space<hbm>> -> memref<64xi32, #tpu.memory_space<hbm>>
      %dma_start3A_184 = tpu.memref_slice %arg3[%mul3A_2] : memref<1024xi32, #tpu.memory_space<hbm>> -> memref<64xi32, #tpu.memory_space<hbm>>
      tpu.enqueue_dma source(%dma_start3A_184 : memref<64xi32, #tpu.memory_space<hbm>>) target(%arg5 : memref<64xi32, #tpu.memory_space<vmem>>) target_semaphore(%run_scoped3A : memref<!tpu.dma_semaphore, #tpu.memory_space<semaphore_mem>>)
      %dma_wait3A_185 = tpu.memref_slice %arg3[%mul3A_2] : memref<1024xi32, #tpu.memory_space<hbm>> -> memref<64xi32, #tpu.memory_space<hbm>>
      %dma_wait3A_186 = tpu.memref_slice %arg3[%mul3A_2] : memref<1024xi32, #tpu.memory_space<hbm>> -> memref<64xi32, #tpu.memory_space<hbm>>
      tpu.wait_dma2 semaphore(%run_scoped3A : memref<!tpu.dma_semaphore, #tpu.memory_space<semaphore_mem>>) src(%dma_wait3A_186 : memref<64xi32, #tpu.memory_space<hbm>>) dst(%arg5 : memref<64xi32, #tpu.memory_space<vmem>>)
      tpu.yield
    }) : () -> ()
    %add3A_3 = arith.constant 0 : i32
    %add3A_4 = arith.addi %mul3A_2, %add3A_3 : i32
    %iota3A = tpu.iota {dimensions = array<i32: 0>} : vector<16xi32>
    %add3A_5 = vector.broadcast %add3A_4 : i32 to vector<16xi32>
    %add3A_6 = arith.addi %add3A_5, %iota3A : vector<16xi32>
    %mul3A_7 = arith.constant 64 : i32
    %mul3A_8 = vector.broadcast %mul3A_7 : i32 to vector<16xi32>
    %mul3A_9 = arith.muli %add3A_6, %mul3A_8 : vector<16xi32>
    %get3A = arith.constant 0 : index
    %get3A_10 = tpu.vector_load %arg5[%get3A] {strides = array<i32>} : memref<64xi32, #tpu.memory_space<vmem>>, vector<16xi32>,
    %get3A_11 = vector.shape_cast %get3A_10 : vector<16xi32> to vector<16xi32>
    %add3A_12 = arith.addi %mul3A_9, %get3A_11 : vector<16xi32>
    %dma_start3A = arith.constant 0 : i32
    %dma_start3A_13 = arith.constant 0 : i32
    %dma_start3A_14 = tpu.memref_slice %arg6[%dma_start3A, %dma_start3A_13] : memref<64x256xf32, #tpu.memory_space<vmem>> -> memref<16x256xf32, #tpu.memory_space<vmem>>
    %dma_start3A_15 = arith.constant 0 : i32
    %dma_start3A_16 = arith.constant 0 : i32
    %dma_start3A_17 = tpu.memref_slice %arg2[%dma_start3A_15, %dma_start3A_16] : memref<65536x256xf32, #tpu.memory_space<hbm>> -> memref<65536x256xf32, #tpu.memory_space<hbm>>
    tpu.enqueue_indirect_dma source(%dma_start3A_17 : memref<65536x256xf32, #tpu.memory_space<hbm>>) target(%dma_start3A_14 : memref<16x256xf32, #tpu.memory_space<vmem>>) offsets(%add3A_12 : vector<16xi32>) semaphore(%arg7 : memref<!tpu.dma_semaphore, #tpu.memory_space<semaphore_mem>>)
    %add3A_18 = arith.constant 16 : i32
    %add3A_19 = arith.addi %mul3A_2, %add3A_18 : i32
    %iota3A_20 = tpu.iota {dimensions = array<i32: 0>} : vector<16xi32>
    %add3A_21 = vector.broadcast %add3A_19 : i32 to vector<16xi32>
    %add3A_22 = arith.addi %add3A_21, %iota3A_20 : vector<16xi32>
    %mul3A_23 = arith.constant 64 : i32
    %mul3A_24 = vector.broadcast %mul3A_23 : i32 to vector<16xi32>
    %mul3A_25 = arith.muli %add3A_22, %mul3A_24 : vector<16xi32>
    %get3A_26 = arith.constant 16 : index
    %get3A_27 = tpu.vector_load %arg5[%get3A_26] {strides = array<i32>} : memref<64xi32, #tpu.memory_space<vmem>>, vector<16xi32>,
    %get3A_28 = vector.shape_cast %get3A_27 : vector<16xi32> to vector<16xi32>
    %add3A_29 = arith.addi %mul3A_25, %get3A_28 : vector<16xi32>
    %dma_start3A_30 = arith.constant 16 : i32
    %dma_start3A_31 = arith.constant 0 : i32
    %dma_start3A_32 = tpu.memref_slice %arg6[%dma_start3A_30, %dma_start3A_31] : memref<64x256xf32, #tpu.memory_space<vmem>> -> memref<16x256xf32, #tpu.memory_space<vmem>>
    %dma_start3A_33 = arith.constant 0 : i32
    %dma_start3A_34 = arith.constant 0 : i32
    %dma_start3A_35 = tpu.memref_slice %arg2[%dma_start3A_33, %dma_start3A_34] : memref<65536x256xf32, #tpu.memory_space<hbm>> -> memref<65536x256xf32, #tpu.memory_space<hbm>>
    tpu.enqueue_indirect_dma source(%dma_start3A_35 : memref<65536x256xf32, #tpu.memory_space<hbm>>) target(%dma_start3A_32 : memref<16x256xf32, #tpu.memory_space<vmem>>) offsets(%add3A_29 : vector<16xi32>) semaphore(%arg8 : memref<!tpu.dma_semaphore, #tpu.memory_space<semaphore_mem>>)
    %add3A_36 = arith.constant 32 : i32
    %add3A_37 = arith.addi %mul3A_2, %add3A_36 : i32
    %iota3A_38 = tpu.iota {dimensions = array<i32: 0>} : vector<16xi32>
    %add3A_39 = vector.broadcast %add3A_37 : i32 to vector<16xi32>
    %add3A_40 = arith.addi %add3A_39, %iota3A_38 : vector<16xi32>
    %mul3A_41 = arith.constant 64 : i32
    %mul3A_42 = vector.broadcast %mul3A_41 : i32 to vector<16xi32>
    %mul3A_43 = arith.muli %add3A_40, %mul3A_42 : vector<16xi32>
    %get3A_44 = arith.constant 32 : index
    %get3A_45 = tpu.vector_load %arg5[%get3A_44] {strides = array<i32>} : memref<64xi32, #tpu.memory_space<vmem>>, vector<16xi32>,
    %get3A_46 = vector.shape_cast %get3A_45 : vector<16xi32> to vector<16xi32>
    %add3A_47 = arith.addi %mul3A_43, %get3A_46 : vector<16xi32>
    %dma_start3A_48 = arith.constant 32 : i32
    %dma_start3A_49 = arith.constant 0 : i32
    %dma_start3A_50 = tpu.memref_slice %arg6[%dma_start3A_48, %dma_start3A_49] : memref<64x256xf32, #tpu.memory_space<vmem>> -> memref<16x256xf32, #tpu.memory_space<vmem>>
    %dma_start3A_51 = arith.constant 0 : i32
    %dma_start3A_52 = arith.constant 0 : i32
    %dma_start3A_53 = tpu.memref_slice %arg2[%dma_start3A_51, %dma_start3A_52] : memref<65536x256xf32, #tpu.memory_space<hbm>> -> memref<65536x256xf32, #tpu.memory_space<hbm>>
    tpu.enqueue_indirect_dma source(%dma_start3A_53 : memref<65536x256xf32, #tpu.memory_space<hbm>>) target(%dma_start3A_50 : memref<16x256xf32, #tpu.memory_space<vmem>>) offsets(%add3A_47 : vector<16xi32>) semaphore(%arg9 : memref<!tpu.dma_semaphore, #tpu.memory_space<semaphore_mem>>)
    %add3A_54 = arith.constant 48 : i32
    %add3A_55 = arith.addi %mul3A_2, %add3A_54 : i32
    %iota3A_56 = tpu.iota {dimensions = array<i32: 0>} : vector<16xi32>
    %add3A_57 = vector.broadcast %add3A_55 : i32 to vector<16xi32>
    %add3A_58 = arith.addi %add3A_57, %iota3A_56 : vector<16xi32>
    %mul3A_59 = arith.constant 64 : i32
    %mul3A_60 = vector.broadcast %mul3A_59 : i32 to vector<16xi32>
    %mul3A_61 = arith.muli %add3A_58, %mul3A_60 : vector<16xi32>
    %get3A_62 = arith.constant 48 : index
    %get3A_63 = tpu.vector_load %arg5[%get3A_62] {strides = array<i32>} : memref<64xi32, #tpu.memory_space<vmem>>, vector<16xi32>,
    %get3A_64 = vector.shape_cast %get3A_63 : vector<16xi32> to vector<16xi32>
    %add3A_65 = arith.addi %mul3A_61, %get3A_64 : vector<16xi32>
    %dma_start3A_66 = arith.constant 48 : i32
    %dma_start3A_67 = arith.constant 0 : i32
    %dma_start3A_68 = tpu.memref_slice %arg6[%dma_start3A_66, %dma_start3A_67] : memref<64x256xf32, #tpu.memory_space<vmem>> -> memref<16x256xf32, #tpu.memory_space<vmem>>
    %dma_start3A_69 = arith.constant 0 : i32
    %dma_start3A_70 = arith.constant 0 : i32
    %dma_start3A_71 = tpu.memref_slice %arg2[%dma_start3A_69, %dma_start3A_70] : memref<65536x256xf32, #tpu.memory_space<hbm>> -> memref<65536x256xf32, #tpu.memory_space<hbm>>
    tpu.enqueue_indirect_dma source(%dma_start3A_71 : memref<65536x256xf32, #tpu.memory_space<hbm>>) target(%dma_start3A_68 : memref<16x256xf32, #tpu.memory_space<vmem>>) offsets(%add3A_65 : vector<16xi32>) semaphore(%arg10 : memref<!tpu.dma_semaphore, #tpu.memory_space<semaphore_mem>>)
    %dma_wait3A = arith.constant 0 : i32
    %dma_wait3A_72 = arith.constant 0 : i32
    %dma_wait3A_73 = tpu.memref_slice %arg6[%dma_wait3A, %dma_wait3A_72] : memref<64x256xf32, #tpu.memory_space<vmem>> -> memref<16x256xf32, #tpu.memory_space<vmem>>
    %dma_wait3A_74 = arith.constant 0 : i32
    %dma_wait3A_75 = arith.constant 0 : i32
    %dma_wait3A_76 = tpu.memref_slice %arg2[%dma_wait3A_74, %dma_wait3A_75] : memref<65536x256xf32, #tpu.memory_space<hbm>> -> memref<65536x256xf32, #tpu.memory_space<hbm>>
    tpu.wait_indirect_dma semaphore(%arg7 : memref<!tpu.dma_semaphore, #tpu.memory_space<semaphore_mem>>) src(%dma_wait3A_76 : memref<65536x256xf32, #tpu.memory_space<hbm>>) dst(%dma_wait3A_73 : memref<16x256xf32, #tpu.memory_space<vmem>>)
    %add3A_77 = arith.constant 0 : i32
    %add3A_78 = arith.addi %mul3A_2, %add3A_77 : i32
    %dma_start3A_79 = arith.constant 0 : i32
    %dma_start3A_80 = arith.constant 0 : i32
    %dma_start3A_81 = tpu.memref_slice %arg6[%dma_start3A_79, %dma_start3A_80] : memref<64x256xf32, #tpu.memory_space<vmem>> -> memref<16x256xf32, #tpu.memory_space<vmem>>
    %dma_start3A_82 = arith.constant 0 : i32
    %dma_start3A_83 = tpu.memref_slice %arg4[%add3A_78, %dma_start3A_82] : memref<1024x256xf32, #tpu.memory_space<hbm>> -> memref<16x256xf32, #tpu.memory_space<hbm>>
    %dma_start3A_84 = arith.constant 0 : i32
    %dma_start3A_85 = tpu.memref_slice %arg4[%add3A_78, %dma_start3A_84] : memref<1024x256xf32, #tpu.memory_space<hbm>> -> memref<16x256xf32, #tpu.memory_space<hbm>>
    %dma_start3A_86 = arith.constant 0 : i32
    %dma_start3A_87 = arith.constant 0 : i32
    %dma_start3A_88 = tpu.memref_slice %arg6[%dma_start3A_86, %dma_start3A_87] : memref<64x256xf32, #tpu.memory_space<vmem>> -> memref<16x256xf32, #tpu.memory_space<vmem>>
    tpu.enqueue_dma source(%dma_start3A_88 : memref<16x256xf32, #tpu.memory_space<vmem>>) target(%dma_start3A_85 : memref<16x256xf32, #tpu.memory_space<hbm>>) target_semaphore(%arg11 : memref<!tpu.dma_semaphore, #tpu.memory_space<semaphore_mem>>)
    %dma_wait3A_89 = arith.constant 16 : i32
    %dma_wait3A_90 = arith.constant 0 : i32
    %dma_wait3A_91 = tpu.memref_slice %arg6[%dma_wait3A_89, %dma_wait3A_90] : memref<64x256xf32, #tpu.memory_space<vmem>> -> memref<16x256xf32, #tpu.memory_space<vmem>>
    %dma_wait3A_92 = arith.constant 0 : i32
    %dma_wait3A_93 = arith.constant 0 : i32
    %dma_wait3A_94 = tpu.memref_slice %arg2[%dma_wait3A_92, %dma_wait3A_93] : memref<65536x256xf32, #tpu.memory_space<hbm>> -> memref<65536x256xf32, #tpu.memory_space<hbm>>
    tpu.wait_indirect_dma semaphore(%arg8 : memref<!tpu.dma_semaphore, #tpu.memory_space<semaphore_mem>>) src(%dma_wait3A_94 : memref<65536x256xf32, #tpu.memory_space<hbm>>) dst(%dma_wait3A_91 : memref<16x256xf32, #tpu.memory_space<vmem>>)
    %add3A_95 = arith.constant 16 : i32
    %add3A_96 = arith.addi %mul3A_2, %add3A_95 : i32
    %dma_start3A_97 = arith.constant 16 : i32
    %dma_start3A_98 = arith.constant 0 : i32
    %dma_start3A_99 = tpu.memref_slice %arg6[%dma_start3A_97, %dma_start3A_98] : memref<64x256xf32, #tpu.memory_space<vmem>> -> memref<16x256xf32, #tpu.memory_space<vmem>>
    %dma_start3A_100 = arith.constant 0 : i32
    %dma_start3A_101 = tpu.memref_slice %arg4[%add3A_96, %dma_start3A_100] : memref<1024x256xf32, #tpu.memory_space<hbm>> -> memref<16x256xf32, #tpu.memory_space<hbm>>
    %dma_start3A_102 = arith.constant 0 : i32
    %dma_start3A_103 = tpu.memref_slice %arg4[%add3A_96, %dma_start3A_102] : memref<1024x256xf32, #tpu.memory_space<hbm>> -> memref<16x256xf32, #tpu.memory_space<hbm>>
    %dma_start3A_104 = arith.constant 16 : i32
    %dma_start3A_105 = arith.constant 0 : i32
    %dma_start3A_106 = tpu.memref_slice %arg6[%dma_start3A_104, %dma_start3A_105] : memref<64x256xf32, #tpu.memory_space<vmem>> -> memref<16x256xf32, #tpu.memory_space<vmem>>
    tpu.enqueue_dma source(%dma_start3A_106 : memref<16x256xf32, #tpu.memory_space<vmem>>) target(%dma_start3A_103 : memref<16x256xf32, #tpu.memory_space<hbm>>) target_semaphore(%arg11 : memref<!tpu.dma_semaphore, #tpu.memory_space<semaphore_mem>>)
    %dma_wait3A_107 = arith.constant 32 : i32
    %dma_wait3A_108 = arith.constant 0 : i32
    %dma_wait3A_109 = tpu.memref_slice %arg6[%dma_wait3A_107, %dma_wait3A_108] : memref<64x256xf32, #tpu.memory_space<vmem>> -> memref<16x256xf32, #tpu.memory_space<vmem>>
    %dma_wait3A_110 = arith.constant 0 : i32
    %dma_wait3A_111 = arith.constant 0 : i32
    %dma_wait3A_112 = tpu.memref_slice %arg2[%dma_wait3A_110, %dma_wait3A_111] : memref<65536x256xf32, #tpu.memory_space<hbm>> -> memref<65536x256xf32, #tpu.memory_space<hbm>>
    tpu.wait_indirect_dma semaphore(%arg9 : memref<!tpu.dma_semaphore, #tpu.memory_space<semaphore_mem>>) src(%dma_wait3A_112 : memref<65536x256xf32, #tpu.memory_space<hbm>>) dst(%dma_wait3A_109 : memref<16x256xf32, #tpu.memory_space<vmem>>)
    %add3A_113 = arith.constant 32 : i32
    %add3A_114 = arith.addi %mul3A_2, %add3A_113 : i32
    %dma_start3A_115 = arith.constant 32 : i32
    %dma_start3A_116 = arith.constant 0 : i32
    %dma_start3A_117 = tpu.memref_slice %arg6[%dma_start3A_115, %dma_start3A_116] : memref<64x256xf32, #tpu.memory_space<vmem>> -> memref<16x256xf32, #tpu.memory_space<vmem>>
    %dma_start3A_118 = arith.constant 0 : i32
    %dma_start3A_119 = tpu.memref_slice %arg4[%add3A_114, %dma_start3A_118] : memref<1024x256xf32, #tpu.memory_space<hbm>> -> memref<16x256xf32, #tpu.memory_space<hbm>>
    %dma_start3A_120 = arith.constant 0 : i32
    %dma_start3A_121 = tpu.memref_slice %arg4[%add3A_114, %dma_start3A_120] : memref<1024x256xf32, #tpu.memory_space<hbm>> -> memref<16x256xf32, #tpu.memory_space<hbm>>
    %dma_start3A_122 = arith.constant 32 : i32
    %dma_start3A_123 = arith.constant 0 : i32
    %dma_start3A_124 = tpu.memref_slice %arg6[%dma_start3A_122, %dma_start3A_123] : memref<64x256xf32, #tpu.memory_space<vmem>> -> memref<16x256xf32, #tpu.memory_space<vmem>>
    tpu.enqueue_dma source(%dma_start3A_124 : memref<16x256xf32, #tpu.memory_space<vmem>>) target(%dma_start3A_121 : memref<16x256xf32, #tpu.memory_space<hbm>>) target_semaphore(%arg11 : memref<!tpu.dma_semaphore, #tpu.memory_space<semaphore_mem>>)
    %dma_wait3A_125 = arith.constant 48 : i32
    %dma_wait3A_126 = arith.constant 0 : i32
    %dma_wait3A_127 = tpu.memref_slice %arg6[%dma_wait3A_125, %dma_wait3A_126] : memref<64x256xf32, #tpu.memory_space<vmem>> -> memref<16x256xf32, #tpu.memory_space<vmem>>
    %dma_wait3A_128 = arith.constant 0 : i32
    %dma_wait3A_129 = arith.constant 0 : i32
    %dma_wait3A_130 = tpu.memref_slice %arg2[%dma_wait3A_128, %dma_wait3A_129] : memref<65536x256xf32, #tpu.memory_space<hbm>> -> memref<65536x256xf32, #tpu.memory_space<hbm>>
    tpu.wait_indirect_dma semaphore(%arg10 : memref<!tpu.dma_semaphore, #tpu.memory_space<semaphore_mem>>) src(%dma_wait3A_130 : memref<65536x256xf32, #tpu.memory_space<hbm>>) dst(%dma_wait3A_127 : memref<16x256xf32, #tpu.memory_space<vmem>>)
    %add3A_131 = arith.constant 48 : i32
    %add3A_132 = arith.addi %mul3A_2, %add3A_131 : i32
    %dma_start3A_133 = arith.constant 48 : i32
    %dma_start3A_134 = arith.constant 0 : i32
    %dma_start3A_135 = tpu.memref_slice %arg6[%dma_start3A_133, %dma_start3A_134] : memref<64x256xf32, #tpu.memory_space<vmem>> -> memref<16x256xf32, #tpu.memory_space<vmem>>
    %dma_start3A_136 = arith.constant 0 : i32
    %dma_start3A_137 = tpu.memref_slice %arg4[%add3A_132, %dma_start3A_136] : memref<1024x256xf32, #tpu.memory_space<hbm>> -> memref<16x256xf32, #tpu.memory_space<hbm>>
    %dma_start3A_138 = arith.constant 0 : i32
    %dma_start3A_139 = tpu.memref_slice %arg4[%add3A_132, %dma_start3A_138] : memref<1024x256xf32, #tpu.memory_space<hbm>> -> memref<16x256xf32, #tpu.memory_space<hbm>>
    %dma_start3A_140 = arith.constant 48 : i32
    %dma_start3A_141 = arith.constant 0 : i32
    %dma_start3A_142 = tpu.memref_slice %arg6[%dma_start3A_140, %dma_start3A_141] : memref<64x256xf32, #tpu.memory_space<vmem>> -> memref<16x256xf32, #tpu.memory_space<vmem>>
    tpu.enqueue_dma source(%dma_start3A_142 : memref<16x256xf32, #tpu.memory_space<vmem>>) target(%dma_start3A_139 : memref<16x256xf32, #tpu.memory_space<hbm>>) target_semaphore(%arg11 : memref<!tpu.dma_semaphore, #tpu.memory_space<semaphore_mem>>)
    %dma_wait3A_143 = arith.constant 0 : i32
    %dma_wait3A_144 = arith.constant 0 : i32
    %dma_wait3A_145 = tpu.memref_slice %arg6[%dma_wait3A_143, %dma_wait3A_144] : memref<64x256xf32, #tpu.memory_space<vmem>> -> memref<16x256xf32, #tpu.memory_space<vmem>>
    %dma_wait3A_146 = arith.constant 0 : i32
    %dma_wait3A_147 = tpu.memref_slice %arg4[%add3A_78, %dma_wait3A_146] : memref<1024x256xf32, #tpu.memory_space<hbm>> -> memref<16x256xf32, #tpu.memory_space<hbm>>
    %dma_wait3A_148 = arith.constant 0 : i32
    %dma_wait3A_149 = tpu.memref_slice %arg4[%add3A_78, %dma_wait3A_148] : memref<1024x256xf32, #tpu.memory_space<hbm>> -> memref<16x256xf32, #tpu.memory_space<hbm>>
    %dma_wait3A_150 = arith.constant 0 : i32
    %dma_wait3A_151 = arith.constant 0 : i32
    %dma_wait3A_152 = tpu.memref_slice %arg6[%dma_wait3A_150, %dma_wait3A_151] : memref<64x256xf32, #tpu.memory_space<vmem>> -> memref<16x256xf32, #tpu.memory_space<vmem>>
    tpu.wait_dma2 semaphore(%arg11 : memref<!tpu.dma_semaphore, #tpu.memory_space<semaphore_mem>>) src(%dma_wait3A_152 : memref<16x256xf32, #tpu.memory_space<vmem>>) dst(%dma_wait3A_149 : memref<16x256xf32, #tpu.memory_space<hbm>>)
    %dma_wait3A_153 = arith.constant 16 : i32
    %dma_wait3A_154 = arith.constant 0 : i32
    %dma_wait3A_155 = tpu.memref_slice %arg6[%dma_wait3A_153, %dma_wait3A_154] : memref<64x256xf32, #tpu.memory_space<vmem>> -> memref<16x256xf32, #tpu.memory_space<vmem>>
    %dma_wait3A_156 = arith.constant 0 : i32
    %dma_wait3A_157 = tpu.memref_slice %arg4[%add3A_96, %dma_wait3A_156] : memref<1024x256xf32, #tpu.memory_space<hbm>> -> memref<16x256xf32, #tpu.memory_space<hbm>>
    %dma_wait3A_158 = arith.constant 0 : i32
    %dma_wait3A_159 = tpu.memref_slice %arg4[%add3A_96, %dma_wait3A_158] : memref<1024x256xf32, #tpu.memory_space<hbm>> -> memref<16x256xf32, #tpu.memory_space<hbm>>
    %dma_wait3A_160 = arith.constant 16 : i32
    %dma_wait3A_161 = arith.constant 0 : i32
    %dma_wait3A_162 = tpu.memref_slice %arg6[%dma_wait3A_160, %dma_wait3A_161] : memref<64x256xf32, #tpu.memory_space<vmem>> -> memref<16x256xf32, #tpu.memory_space<vmem>>
    tpu.wait_dma2 semaphore(%arg11 : memref<!tpu.dma_semaphore, #tpu.memory_space<semaphore_mem>>) src(%dma_wait3A_162 : memref<16x256xf32, #tpu.memory_space<vmem>>) dst(%dma_wait3A_159 : memref<16x256xf32, #tpu.memory_space<hbm>>)
    %dma_wait3A_163 = arith.constant 32 : i32
    %dma_wait3A_164 = arith.constant 0 : i32
    %dma_wait3A_165 = tpu.memref_slice %arg6[%dma_wait3A_163, %dma_wait3A_164] : memref<64x256xf32, #tpu.memory_space<vmem>> -> memref<16x256xf32, #tpu.memory_space<vmem>>
    %dma_wait3A_166 = arith.constant 0 : i32
    %dma_wait3A_167 = tpu.memref_slice %arg4[%add3A_114, %dma_wait3A_166] : memref<1024x256xf32, #tpu.memory_space<hbm>> -> memref<16x256xf32, #tpu.memory_space<hbm>>
    %dma_wait3A_168 = arith.constant 0 : i32
    %dma_wait3A_169 = tpu.memref_slice %arg4[%add3A_114, %dma_wait3A_168] : memref<1024x256xf32, #tpu.memory_space<hbm>> -> memref<16x256xf32, #tpu.memory_space<hbm>>
    %dma_wait3A_170 = arith.constant 32 : i32
    %dma_wait3A_171 = arith.constant 0 : i32
    %dma_wait3A_172 = tpu.memref_slice %arg6[%dma_wait3A_170, %dma_wait3A_171] : memref<64x256xf32, #tpu.memory_space<vmem>> -> memref<16x256xf32, #tpu.memory_space<vmem>>
    tpu.wait_dma2 semaphore(%arg11 : memref<!tpu.dma_semaphore, #tpu.memory_space<semaphore_mem>>) src(%dma_wait3A_172 : memref<16x256xf32, #tpu.memory_space<vmem>>) dst(%dma_wait3A_169 : memref<16x256xf32, #tpu.memory_space<hbm>>)
    %dma_wait3A_173 = arith.constant 48 : i32
    %dma_wait3A_174 = arith.constant 0 : i32
    %dma_wait3A_175 = tpu.memref_slice %arg6[%dma_wait3A_173, %dma_wait3A_174] : memref<64x256xf32, #tpu.memory_space<vmem>> -> memref<16x256xf32, #tpu.memory_space<vmem>>
    %dma_wait3A_176 = arith.constant 0 : i32
    %dma_wait3A_177 = tpu.memref_slice %arg4[%add3A_132, %dma_wait3A_176] : memref<1024x256xf32, #tpu.memory_space<hbm>> -> memref<16x256xf32, #tpu.memory_space<hbm>>
    %dma_wait3A_178 = arith.constant 0 : i32
    %dma_wait3A_179 = tpu.memref_slice %arg4[%add3A_132, %dma_wait3A_178] : memref<1024x256xf32, #tpu.memory_space<hbm>> -> memref<16x256xf32, #tpu.memory_space<hbm>>
    %dma_wait3A_180 = arith.constant 48 : i32
    %dma_wait3A_181 = arith.constant 0 : i32
    %dma_wait3A_182 = tpu.memref_slice %arg6[%dma_wait3A_180, %dma_wait3A_181] : memref<64x256xf32, #tpu.memory_space<vmem>> -> memref<16x256xf32, #tpu.memory_space<vmem>>
    tpu.wait_dma2 semaphore(%arg11 : memref<!tpu.dma_semaphore, #tpu.memory_space<semaphore_mem>>) src(%dma_wait3A_182 : memref<16x256xf32, #tpu.memory_space<vmem>>) dst(%dma_wait3A_179 : memref<16x256xf32, #tpu.memory_space<hbm>>)
    return
  }
}

module attributes {stable_mosaic.version = 14 : i64} {
  func.func @body(%arg0: memref<1024x256xf32, #tpu.memory_space<vmem>>, %arg1: memref<256x256xf32, #tpu.memory_space<vmem>>, %arg2: memref<1x256xf32, #tpu.memory_space<vmem>>, %arg3: memref<4x256xf32, #tpu.memory_space<vmem>>, %arg4: memref<256x4xf32, #tpu.memory_space<vmem>>, %arg5: memref<1024x256xf32, #tpu.memory_space<vmem>>) attributes {dimension_semantics = [], scalar_prefetch = 0 : i64, scratch_operands = 0 : i64, tpu.core_type = #tpu.core_type<tc>} {
    %get3A = arith.constant 0 : index
    %get3A_0 = arith.constant 0 : index
    %get3A_1 = vector.load %arg1[%get3A, %get3A_0] : memref<256x256xf32, #tpu.memory_space<vmem>>, vector<256x256xf32>
    %get3A_2 = arith.constant 0 : index
    %get3A_3 = arith.constant 0 : index
    %get3A_4 = vector.load %arg4[%get3A_2, %get3A_3] : memref<256x4xf32, #tpu.memory_space<vmem>>, vector<256x4xf32>
    %get3A_5 = arith.constant 0 : index
    %get3A_6 = arith.constant 0 : index
    %get3A_7 = vector.load %arg3[%get3A_5, %get3A_6] : memref<4x256xf32, #tpu.memory_space<vmem>>, vector<4x256xf32>
    %dot_general3A = arith.constant dense<0.000000e+00> : vector<256x256xf32>
    %dot_general3A_8 = tpu.matmul %get3A_4, %get3A_7, %dot_general3A {dimension_numbers = #tpu.dot_dimension_numbers<[1], [0], [0], [1], [0, 0, 1, 1], [], []>, transpose_lhs_hint = false} : vector<256x4xf32>, vector<4x256xf32>, vector<256x256xf32> -> vector<256x256xf32>
    %mul3A = arith.constant 8.000000e+00 : f32
    %mul3A_9 = vector.broadcast %mul3A : f32 to vector<256x256xf32>
    %mul3A_10 = arith.mulf %mul3A_9, %dot_general3A_8 : vector<256x256xf32>
    %add3A = arith.addf %get3A_1, %mul3A_10 : vector<256x256xf32>
    %get3A_11 = arith.constant 0 : index
    %get3A_12 = arith.constant 0 : index
    %get3A_13 = vector.load %arg0[%get3A_11, %get3A_12] : memref<1024x256xf32, #tpu.memory_space<vmem>>, vector<1024x256xf32>
    %dot_general3A_14 = arith.constant dense<0.000000e+00> : vector<1024x256xf32>
    %dot_general3A_15 = tpu.matmul %get3A_13, %add3A, %dot_general3A_14 {dimension_numbers = #tpu.dot_dimension_numbers<[1], [1], [0], [0], [0, 0, 1, 0], [], []>, transpose_lhs_hint = false} : vector<1024x256xf32>, vector<256x256xf32>, vector<1024x256xf32> -> vector<1024x256xf32>
    %get3A_16 = arith.constant 0 : index
    %get3A_17 = arith.constant 0 : index
    %get3A_18 = vector.load %arg2[%get3A_16, %get3A_17] : memref<1x256xf32, #tpu.memory_space<vmem>>, vector<1x256xf32>
    %add3A_19 = vector.broadcast %get3A_18 : vector<1x256xf32> to vector<1024x256xf32>
    %add3A_20 = arith.addf %dot_general3A_15, %add3A_19 : vector<1024x256xf32>
    %swap3A = arith.constant 0 : index
    %swap3A_21 = arith.constant 0 : index
    %swap3A_22 = vector.load %arg5[%swap3A, %swap3A_21] : memref<1024x256xf32, #tpu.memory_space<vmem>>, vector<1024x256xf32>
    tpu.vector_store %arg5[%swap3A, %swap3A_21], %add3A_20 {strides = array<i32>} : memref<1024x256xf32, #tpu.memory_space<vmem>>, vector<1024x256xf32>,
    return
  }
}

</mosaic_0001>

<sc_bundles>
// kernel: kernel.4.cloned.1.call-start
scs
__scs_entry_jumppad:
0x0: {  	(pc) =	sbr.rel $0x88, $3  }
0x1: {  	(tag) =	ssettag $0x0;
	lr =	simm.s32 $0x1  }
0x2: {  	[smem:$0x3F9B] =	sst lr;
	_ =	strace $0xD0000000  }
0x3: {  	_ = 	snop  }
0x4: {  	_ = 	snop  }
0x5: {  	_ = 	snop  }
0x6: {  	_ = 	snop  }
0x7: {  	_ = 	snop  }
__scs_overlays_trampoline_lowered:
0x8: {  	[smem:$0x3FAA] =	sst s0  }
0x9: {  	[smem:$0x3FAB] =	sst s1  }
0xa: {  	[smem:$0x3FAC] =	sst s2  }
0xb: {  	[smem:$0x3FAD] =	sst s3  }
0xc: {  	[smem:$0x3FAE] =	sst s4  }
0xd: {  	[smem:$0x3FAF] =	sst s5  }
0xe: {  	[smem:$0x3FB0] =	sst s6  }
0xf: {  	[smem:$0x3FB1] =	sst s7  }
0x10: {  	[smem:$0x3FB2] =	sst s8  }
0x11: {  	[smem:$0x3FB3] =	sst s9;
	s0 =	simm.s32 @!p0 $0x0  }
0x12: {  	s1 =	sld [smem:$0x3F99];
	s0 =	simm.s32 @p0 $0x1  }
0x13: {  	[smem:$0x3FB4] =	sst s0;
	s0 =	simm.s32 @!p1 $0x0  }
0x14: {  	s2 =	sld [smem:$0x3F98];
	s0 =	simm.s32 @p1 $0x1  }
0x15: {  	[smem:$0x3FB5] =	sst s0;
	s0 =	simm.s32 @!p2 $0x0  }
0x16: {  	s3 =	sld [smem:$0x3FDB];
	s0 =	simm.s32 @p2 $0x1  }
0x17: {  	s4 =	simm.s32 $0x1BF5;
	[smem:$0x3FB7] =	sst s0  }
0x18: {  	s0 =	sld [smem:$0x3F9A];
	_ =	swait.ge [sflag:s4], $0x0  }
0x19: {  	s7 =	sld [smem:$0x3F9B]  }
0x1a: {  	s8 =	sadd.s32 $0xFFFFE003, lr  }
0x1b: {  	s9 =	sadd.s32 $0xFFFFFEF7, lr;
	s5 =	simm.s32 $0xFFFFFFFF;
	p2 =	slt.u32 s8, $0xFFFFF086  }
0x1c: {  	p1 =	slt.u32 s9, $0xF7A;
	s5 =	simm.s32 @!p2 $0x0  }
0x1d: {  	s5 =	simm.s32 @p1 $0x1;
	p0 =	seq.s32 s7, s2  }
0x1e: {  	s7 =	smul.u32 @!p0 $0xF7A, s2;
	p2 =	seq.s32 @!p0 s5, $0x0  }
0x1f: {  	s9 =	smul.u32 $0xF7A, s1;
	s8 =	simm.s32 @!p0 $0x1BF5;
	p2 =	por !p2, p0  }
0x20: {  	[sflag:s8] =	ssyncset.s32 @!p0 $0xFFFFF086;
	s6 =	sadd.s32 @!p0 s3, s7;
	s7 =	simm.s32 @!p0 $0x108  }
0x21: {  	s3 =	sadd.s32 s3, s9;
	s6 =	sadd.s32 @!p0 $0x88, s6;
	s7 =	simm.s32 @p2 $0x1082  }
0x22: {  	[simem:s7], [sflag:s8] =	dma.local @!p0 [hbm:s6], $0xF7A  }
0x23: {  	s9 =	sor.u32 $0xD0000000, s2;
	s6 =	simm.s32 $0x108;
	_ =	swait.ge @!p0 [sflag:s8], $0x0  }
0x24: {  	s3 =	sadd.s32 $0x88, s3;
	s6 =	simm.s32 @!p1 $0x1082;
	[sflag:s4] =	ssyncset.s32 $0xFFFFF086  }
0x25: {  	[simem:s6], [sflag:s4] =	dma.local [hbm:s3], $0xF7A  }
0x26: {  	[smem:$0x3F9B] =	sst s1;
	(tag) =	ssettag s2;
	_ =	strace s9  }
0x27: {  	s1 =	sld [smem:$0x3FAB]  }
0x28: {  	s2 =	sld [smem:$0x3FAC]  }
0x29: {  	s4 =	sld [smem:$0x3FAE]  }
0x2a: {  	p0 =	seq.s32 s5, $0x0;
	s5 =	sld [smem:$0x3FAF]  }
0x2b: {  	s6 =	sld [smem:$0x3FB0]  }
0x2c: {  	s7 =	sld [smem:$0x3FB1]  }
0x2d: {  	s3 =	simm.s32 $0x108;
	s8 =	sld [smem:$0x3FB2]  }
0x2e: {  	s3 =	simm.s32 @!p0 $0x1082;
	s9 =	sld [smem:$0x3FB3]  }
0x2f: {  	lr =	sadd.s32 s0, s3;
	s0 =	sld [smem:$0x3FAA]  }
0x30: {  	s3 =	sld [smem:$0x3FAD]  }
0x31: {  	[smem:$0x3FB6] =	sst s10  }
0x32: {  	s10 =	sld [smem:$0x3FB4];
	_ =	sdelay $0x3  }
0x33: {  	p0 =	seq.s32 s10, $0x1;
	s10 =	sld [smem:$0x3FB6];
	_ =	sdelay $0x3  }
0x34: {  	[smem:$0x3FB6] =	sst s10  }
0x35: {  	s10 =	sld [smem:$0x3FB5];
	_ =	sdelay $0x3  }
0x36: {  	p1 =	seq.s32 s10, $0x1;
	s10 =	sld [smem:$0x3FB6];
	_ =	sdelay $0x3  }
0x37: {  	[smem:$0x3FB6] =	sst s10  }
0x38: {  	s10 =	sld [smem:$0x3FB7]  }
0x39: {  	_ = 	snop;
	(pc) =	sbr.ind lr, $3  }
0x3a: {  	_ = 	snop  }
0x3b: {  	_ = 	snop  }
0x3c: {  	p2 =	seq.s32 s10, $0x1;
	s10 =	sld [smem:$0x3FB6]  }
0x3d: {  	_ =	shalt  }
0x3e: {  	_ =	shalt  }
0x3f: {  	_ =	shalt  }
0x40: {  	_ =	shalt  }
0x41: {  	_ =	shalt  }
0x42: {  	_ =	shalt  }
0x43: {  	_ =	shalt  }
0x44: {  	_ =	shalt  }
0x45: {  	_ =	shalt  }
0x46: {  	_ =	shalt  }
0x47: {  	_ =	shalt  }
0x48: {  	_ =	shalt  }
0x49: {  	_ =	shalt  }
0x4a: {  	_ =	shalt  }
0x4b: {  	_ =	shalt  }
0x4c: {  	_ =	shalt  }
0x4d: {  	_ =	shalt  }
0x4e: {  	_ =	shalt  }
0x4f: {  	_ =	shalt  }
0x50: {  	_ =	shalt  }
0x51: {  	_ =	shalt  }
0x52: {  	_ =	shalt  }
0x53: {  	_ =	shalt  }
0x54: {  	_ =	shalt  }
0x55: {  	_ =	shalt  }
0x56: {  	_ =	shalt  }
0x57: {  	_ =	shalt  }
0x58: {  	_ =	shalt  }
0x59: {  	_ =	shalt  }
0x5a: {  	_ =	shalt  }
0x5b: {  	_ =	shalt  }
0x5c: {  	_ =	shalt  }
0x5d: {  	_ =	shalt  }
0x5e: {  	_ =	shalt  }
0x5f: {  	_ =	shalt  }
0x60: {  	_ =	shalt  }
0x61: {  	_ =	shalt  }
0x62: {  	_ =	shalt  }
0x63: {  	_ =	shalt  }
0x64: {  	_ =	shalt  }
0x65: {  	_ =	shalt  }
0x66: {  	_ =	shalt  }
0x67: {  	_ =	shalt  }
0x68: {  	_ =	shalt  }
0x69: {  	_ =	shalt  }
0x6a: {  	_ =	shalt  }
0x6b: {  	_ =	shalt  }
0x6c: {  	_ =	shalt  }
0x6d: {  	_ =	shalt  }
0x6e: {  	_ =	shalt  }
0x6f: {  	_ =	shalt  }
0x70: {  	_ =	shalt  }
0x71: {  	_ =	shalt  }
0x72: {  	_ =	shalt  }
0x73: {  	_ =	shalt  }
0x74: {  	_ =	shalt  }
0x75: {  	_ =	shalt  }
0x76: {  	_ =	shalt  }
0x77: {  	_ =	shalt  }
0x78: {  	_ =	shalt  }
0x79: {  	_ =	shalt  }
0x7a: {  	_ =	shalt  }
0x7b: {  	_ =	shalt  }
0x7c: {  	_ =	shalt  }
0x7d: {  	_ =	shalt  }
0x7e: {  	_ =	shalt  }
0x7f: {  	_ =	shalt  }
0x80: {  	_ =	shalt  }
0x81: {  	_ =	shalt  }
0x82: {  	_ =	shalt  }
0x83: {  	_ =	shalt  }
0x84: {  	_ =	shalt  }
0x85: {  	_ =	shalt  }
0x86: {  	_ =	shalt  }
0x87: {  	_ =	shalt  }
.Lfunc_end0:
.L_simem_size_0:
called_computation_lowered:
.L_overlay_start_0:
0x88: {  	s0 =	sld [smem:$0x3FD9]  }
0x89: {  	s1 =	sld [smem:$0x3FFE];
	_ =	sdelay $0x3  }
0x8a: {  	s0 =	sadd.s32 s1, s0  }
0x8b: {  	[smem:$0x3FC2] =	sst s0  }
0x8c: {  	_ = 	snop  }
0x8d: {  	s0 =	sld [smem:$0x3FC9]  }
0x8e: {  	s16 =	sld [smem:$0x3FD0];
	(tm) =	ssettm $0x1  }
0x8f: {  	s2 =	sld [smem:$0x3FFB];
	_ =	sdelay $0x3  }
0x90: {  	_ =	strace s2  }
0x91: {  	s2 =	sld [smem:$0x3FFC];
	_ =	sdelay $0x3  }
0x92: {  	_ =	strace s2  }
0x93: {  	s2 =	sld [smem:$0x3FFD];
	_ =	sdelay $0x3  }
0x94: {  	_ =	strace s2  }
0x95: {  	_ =	strace $0x8FFFFFFF  }
0x96: {  	s17 =	sld [smem:$0x3FDB];
	_ =	sdelay $0x1  }
0x97: {  	s3 =	simm.s32 $_scs_section_size  }
0x98: {  	s4 =	simm.s32 $_size__tile_overlayer_lowered;
	s5 =	simm.s32 $_tile_overlayer_lowered  }
0x99: {  	s20 =	simm.s32 $0x1BFF;
	s19 =	sshll.u32 s5, $0x1;
	s2 =	sadd.s32 s3, s17  }
0x9a: {  	s6 =	simm.s32 $0x0;
	s18 =	sshll.u32 s4, $0x1;
	s4 =	sadd.s32 s19, s2  }
0x9b: {  	[timem:s6], [sflag:s20] =	dma.local [hbm:s4], s18  }
0x9c: {  	_ =	swait.ge [sflag:s20], s18  }
0x9d: {  	s3 =	ssub.s32 $0x0, s18;
	[sflag:s20] =	ssyncset.done $0x0  }
0x9e: {  	[sflag:s20] =	ssyncadd.s32 s3;
	_ =	sdelay $0x1  }
0x9f: {  	s21 =	simm.s32 $0x1B8B  }
0xa0: {  	_ =	swait.ge [sflag:s21], $0x1  }
0xa1: {  	[sflag:s21] =	ssyncset.done $0x0  }
0xa2: {  	s23 =	simm.s32 $0x1B8E;
	s22 =	sld [smem:$0x3FFE];
	[sflag:s21] =	ssyncadd.s32 $0xFFFFFFFF  }
0xa3: {  	s24 =	simm.s32 $execute0_lowered;
	[smem:$0x3FD2] =	sst s23  }
0xa4: {  	s4 =	sshll.u32 s24, $0x1;
	_ =	strace $0x80000046;
	[dreg:$0x1] =	wrdreg $0xFFFFFFFF  }
0xa5: {  	s25 =	simm.s32 $_size_execute0_lowered;
	s2 =	sadd.s32 s2, s4;
	[dreg:$0x0] =	wrdreg $0x0  }
0xa6: {  	s4 =	sshll.u32 s25, $0x1;
	[dreg:$0x2] =	wrdreg s2  }
0xa7: {  	[dreg:$0x3] =	wrdreg s4  }
0xa8: {  	[dreg:$0x4] =	wrdreg $0xC0  }
0xa9: {  	_ =	task [dreg:s6], $0x5FFFF  }
0xaa: {  	[dreg:$0x1] =	wrdreg $0xFFFFFFFF  }
0xab: {  	[dreg:$0x0] =	wrdreg $0x60  }
0xac: {  	[dreg:$0x2] =	wrdreg s0  }
0xad: {  	[dreg:$0x3] =	wrdreg s22  }
0xae: {  	[dreg:$0x4] =	wrdreg s16  }
0xaf: {  	[dreg:$0x5] =	wrdreg $0x9  }
0xb0: {  	_ =	task.clear_ibuf [dreg:s6], $0x6FFFF;
	_ =	strace $0x90000046  }
0xb1: {  	s26 =	simm.s32 $0x9;
	_ =	strace $0x80000048  }
0xb2: {  	_ =	swait.ge [sflag:s26], $0x1  }
0xb3: {  	[sflag:s26] =	ssyncadd.s32 $0xFFFFFFFF  }
0xb4: {  	_ =	strace $0x90000048  }
0xb5: {  	_ =	sfence  }
0xb6: {  	s28 =	sld [smem:$0x0];
	_ =	sdelay $0x1  }
0xb7: {  	s29 =	srdreg.scid  }
0xb8: {  	s30 =	sshll.u32 s29, $0xD;
	s31 =	sshrl.u32 s29, $0x2  }
0xb9: {  	s1 =	sand.u32 $0x1, s29;
	s2 =	sand.u32 $0x4000, s30;
	s0 =	sadd.s32 s31, s28  }
0xba: {  	s1 =	sor.u32 s2, s1;
	s0 =	sshll.u32 s0, $0x11  }
0xbb: {  	s0 =	sor.u32 s0, s1  }
0xbc: {  	s0 =	sadd.s32 $0x8F2B, s0  }
0xbd: {  	[sflag:s0] =	ssyncadd.remote.s32 $0x1  }
0xbe: {  	_ =	sfence.sel $0xFFFF  }
0xbf: {  	[dreg:$0x0] =	wrdreg $0xFFFFFFFF;
	(pc) =	sbr.abs _section_cstart, $3  }
0xc0: {  	[dreg:$0x1] =	wrdreg $0xFFFFFFFF  }
0xc1: {  	_ =	task.clear_ibuf [dreg:s6], $0x2FFFF;
	_ =	strace $0x9FFFFFFF  }
0xc2: {  	(tm) =	ssettm $0x7FFFFFFF  }
0xc3: {  	_ =	shalt  }
tec
execute0_lowered:
.L_overlay_start_1:
0x0: {  	(tag) =	ssettag $0x1  }
0x1: {  	s4 =	rddreg [dreg:$0x0]  }
0x2: {  	s5 =	rddreg [dreg:$0x1]  }
0x3: {  	s2 =	rddreg [dreg:$0x2];
	s1 =	stileid.u32  }
0x4: {  	s0 =	rddreg [dreg:$0x3];
	s3 =	simm.s32 $0x0;
	s6 =	sshll.u32 s1, $0x3  }
0x5: {  	[smem:$0x7FF] =	sst s3;
	s5 =	sadd.s32 s6, s5  }
0x6: {  	s16 =	simm.s32 $0x6;
	_ =	strace $0x80000047;
	s5 =	sadd.s32 $0xE00, s5  }
0x7: {  	[tilespmem:s3], [sflag:$0x6] =	stream.linear.gather [hbm4b:s5+s3], $0x40, $0x38;
	[tilespmem:$0x4080] =	vst v63  }
0x8: {  	_ =	swait.ge [sflag:s16], $0x40  }
0x9: {  	[sflag:s16] =	ssyncset.done $0x0  }
0xa: {  	[sflag:s16] =	ssyncadd.s32 $0xFFFFFFC0  }
0xb: {  	v0 =	vld [tilespmem:$0x0];
	_ =	sdelay $0x1  }
0xc: {  	v1 =	vlaneseq.u32;
	s17 =	sshll.u32 s1, $0x6  }
0xd: {  	v3 =	vmul.u32 $0x80, v1;
	v2 =	vmov s17  }
0xe: {  	v2 =	vshll.u32 v2, $0x7  }
0xf: {  	v2 =	vor.u32 v3, v2;
	v4 =	vshll.u32 v0, $0x1  }
0x10: {  	v2 =	vadd.s32 v2, v4  }
0x11: {  	v0 =	vand.u32 $0x7, v0;
	v2 =	vand.u32 $0xFFFFFFF0, v2  }
0x12: {  	v57 =	vand.u32 $0x7, v1;
	v58 =	vshrl.u32 v1, $0x3;
	v0 =	vor.u32 v0, v2  }
0x13: {  	v4 =	vmul.u32 $0x8, v58;
	v5 =	vperm.xlane v0, v57  }
0x14: {  	v1 =	vor.u32 $0x8, v1  }
0x15: {  	v0 =	vperm.xlane v0, v1;
	v5 =	vadd.s32 v4, v5;
	_ =	sdelay $0x1  }
0x16: {  	v0 =	vadd.s32 v4, v0;
	_ =	sdelay $0x1  }
0x17: {  	vm0 =	vmmov $0xffff;
	s18 =	simm.s32 $0x80  }
0x18: {  	[tilespmem:s18], [sflag:$0x1] =	stream.indirect_vreg.gather [hbm4b:s4+s3], $0x80, v5, vm0, $0xb8;
	[tilespmem:$0x4080] =	vst v63  }
0x19: {  	s7 =	simm.s32 $0x880  }
0x1a: {  	[tilespmem:s7], [sflag:$0x1] =	stream.indirect_vreg.gather [hbm4b:s4+s3], $0x80, v0, vm0, $0xb8;
	[tilespmem:$0x4080] =	vst v63  }
0x1b: {  	v0 =	vld [tilespmem:$0x10];
	_ =	sdelay $0x1  }
0x1c: {  	s19 =	sor.u32 $0x10, s17  }
0x1d: {  	v59 =	vmov s19  }
0x1e: {  	v5 =	vshll.u32 v59, $0x7  }
0x1f: {  	v5 =	vor.u32 v3, v5;
	v6 =	vshll.u32 v0, $0x1  }
0x20: {  	v5 =	vadd.s32 v5, v6  }
0x21: {  	v0 =	vand.u32 $0x7, v0;
	v5 =	vand.u32 $0xFFFFFFF0, v5  }
0x22: {  	v0 =	vor.u32 v0, v5  }
0x23: {  	v5 =	vperm.xlane v0, v57;
	_ =	sdelay $0x1  }
0x24: {  	v0 =	vperm.xlane v0, v1;
	v5 =	vadd.s32 v4, v5;
	_ =	sdelay $0x1  }
0x25: {  	v0 =	vadd.s32 v4, v0;
	_ =	sdelay $0x1  }
0x26: {  	s8 =	simm.s32 $0x1080  }
0x27: {  	[tilespmem:s8], [sflag:$0x2] =	stream.indirect_vreg.gather [hbm4b:s4+s3], $0x80, v5, vm0, $0xb8;
	[tilespmem:$0x4080] =	vst v63  }
0x28: {  	s9 =	simm.s32 $0x1880  }
0x29: {  	[tilespmem:s9], [sflag:$0x2] =	stream.indirect_vreg.gather [hbm4b:s4+s3], $0x80, v0, vm0, $0xb8;
	[tilespmem:$0x4080] =	vst v63  }
0x2a: {  	v0 =	vld [tilespmem:$0x20];
	_ =	sdelay $0x1  }
0x2b: {  	s20 =	sor.u32 $0x20, s17  }
0x2c: {  	v60 =	vmov s20  }
0x2d: {  	v5 =	vshll.u32 v60, $0x7  }
0x2e: {  	v5 =	vor.u32 v3, v5;
	v61 =	vshll.u32 v0, $0x1  }
0x2f: {  	v5 =	vadd.s32 v5, v61  }
0x30: {  	v0 =	vand.u32 $0x7, v0;
	v5 =	vand.u32 $0xFFFFFFF0, v5  }
0x31: {  	v0 =	vor.u32 v0, v5  }
0x32: {  	v5 =	vperm.xlane v0, v57;
	_ =	sdelay $0x1  }
0x33: {  	v0 =	vperm.xlane v0, v1;
	v5 =	vadd.s32 v4, v5;
	_ =	sdelay $0x1  }
0x34: {  	v0 =	vadd.s32 v4, v0;
	_ =	sdelay $0x1  }
0x35: {  	s10 =	simm.s32 $0x2080  }
0x36: {  	[tilespmem:s10], [sflag:$0x3] =	stream.indirect_vreg.gather [hbm4b:s4+s3], $0x80, v5, vm0, $0xb8;
	[tilespmem:$0x4080] =	vst v63  }
0x37: {  	s11 =	simm.s32 $0x2880  }
0x38: {  	[tilespmem:s11], [sflag:$0x3] =	stream.indirect_vreg.gather [hbm4b:s4+s3], $0x80, v0, vm0, $0xb8;
	[tilespmem:$0x4080] =	vst v63  }
0x39: {  	v0 =	vld [tilespmem:$0x30];
	_ =	sdelay $0x1  }
0x3a: {  	s6 =	sor.u32 $0x30, s17  }
0x3b: {  	v62 =	vmov s6  }
0x3c: {  	v5 =	vshll.u32 v62, $0x7  }
0x3d: {  	v3 =	vor.u32 v3, v5;
	v63 =	vshll.u32 v0, $0x1  }
0x3e: {  	v3 =	vadd.s32 v3, v63  }
0x3f: {  	v0 =	vand.u32 $0x7, v0;
	v3 =	vand.u32 $0xFFFFFFF0, v3  }
0x40: {  	v0 =	vor.u32 v0, v3  }
0x41: {  	v2 =	vperm.xlane v0, v57;
	_ =	sdelay $0x1  }
0x42: {  	v0 =	vperm.xlane v0, v1;
	v2 =	vadd.s32 v4, v2;
	_ =	sdelay $0x1  }
0x43: {  	v0 =	vadd.s32 v4, v0;
	_ =	sdelay $0x1  }
0x44: {  	s21 =	simm.s32 $0x3080  }
0x45: {  	[tilespmem:s21], [sflag:$0x4] =	stream.indirect_vreg.gather [hbm4b:s4+s3], $0x80, v2, vm0, $0xb8;
	[tilespmem:$0x4080] =	vst v63  }
0x46: {  	s12 =	simm.s32 $0x3880;
	s22 =	simm.s32 $0x1  }
0x47: {  	[tilespmem:s12], [sflag:$0x4] =	stream.indirect_vreg.gather [hbm4b:s4+s3], $0x80, v0, vm0, $0xb8;
	[tilespmem:$0x4080] =	vst v63  }
0x48: {  	_ =	swait.ge [sflag:s22], $0x1000  }
0x49: {  	s23 =	sshll.u32 s1, $0xB;
	[sflag:s22] =	ssyncset.done $0x0  }
0x4a: {  	s24 =	simm.s32 $0x2;
	s12 =	sadd.s32 s2, s23;
	[sflag:s22] =	ssyncadd.s32 $0xFFFFF000  }
0x4b: {  	[hbm4b:s12+s3] =	stream.linear.scatter [tilespmem:s18], [sflag:$0x5], $0x1000, $0x38;
	[tilespmem:$0x4080] =	vst v63  }
0x4c: {  	_ =	swait.ge [sflag:s24], $0x1000  }
0x4d: {  	s25 =	sshll.u32 s19, $0x5;
	[sflag:s24] =	ssyncset.done $0x0  }
0x4e: {  	s26 =	simm.s32 $0x3;
	s5 =	sadd.s32 s2, s25;
	[sflag:s24] =	ssyncadd.s32 $0xFFFFF000  }
0x4f: {  	[hbm4b:s5+s3] =	stream.linear.scatter [tilespmem:s8], [sflag:$0x5], $0x1000, $0x38;
	[tilespmem:$0x4080] =	vst v63  }
0x50: {  	_ =	swait.ge [sflag:s26], $0x1000  }
0x51: {  	s28 =	sshll.u32 s20, $0x5;
	[sflag:s26] =	ssyncset.done $0x0  }
0x52: {  	s29 =	simm.s32 $0x4;
	s5 =	sadd.s32 s2, s28;
	[sflag:s26] =	ssyncadd.s32 $0xFFFFF000  }
0x53: {  	[hbm4b:s5+s3] =	stream.linear.scatter [tilespmem:s10], [sflag:$0x5], $0x1000, $0x38;
	[tilespmem:$0x4080] =	vst v63  }
0x54: {  	_ =	swait.ge [sflag:s29], $0x1000  }
0x55: {  	s30 =	sshll.u32 s6, $0x5;
	[sflag:s29] =	ssyncset.done $0x0  }
0x56: {  	s31 =	simm.s32 $0x5;
	s2 =	sadd.s32 s2, s30;
	[sflag:s29] =	ssyncadd.s32 $0xFFFFF000  }
0x57: {  	[hbm4b:s2+s3] =	stream.linear.scatter [tilespmem:s21], [sflag:$0x5], $0x1000, $0x38;
	[tilespmem:$0x4080] =	vst v63  }
0x58: {  	_ =	swait.ge [sflag:s31], $0x1000  }
0x59: {  	[sflag:s31] =	ssyncset.done $0x0  }
0x5a: {  	[sflag:s31] =	ssyncadd.s32 $0xFFFFF000  }
0x5b: {  	_ =	swait.ge [sflag:s31], $0x1000  }
0x5c: {  	[sflag:s31] =	ssyncset.done $0x0  }
0x5d: {  	[sflag:s31] =	ssyncadd.s32 $0xFFFFF000  }
0x5e: {  	_ =	swait.ge [sflag:s31], $0x1000  }
0x5f: {  	[sflag:s31] =	ssyncset.done $0x0  }
0x60: {  	[sflag:s31] =	ssyncadd.s32 $0xFFFFF000  }
0x61: {  	_ =	swait.ge [sflag:s31], $0x1000  }
0x62: {  	[sflag:s31] =	ssyncset.done $0x0  }
0x63: {  	[sflag:s31] =	ssyncadd.s32 $0xFFFFF000  }
0x64: {  	_ =	sfence.sel $0x180000  }
0x65: {  	[bflag:$0x0] =	sbarrier.arrive $0xFFFF  }
0x66: {  	p0 =	sne.s32 s1, $0x0;
	_ =	strace $0x90000047  }
0x67: {  	s0 =	sadd.s32 @!p0 $0x100000, s0;
	[bflag:$0x2] =	sbarrier.arrive $0xFFFF  }
0x68: {  	[sflag:s0] =	ssyncadd.tile.s32 @!p0 $0x1;
	_ =	shalt  }
.Lfunc_end2:
_tile_overlayer_lowered:
.L_overlay_start_2:
0x69: {  	(tag) =	ssettag $0x2  }
0x6a: {  	s0 =	rddreg [dreg:$0x0];
	s2 =	stileid.u32  }
0x6b: {  	s1 =	rddreg [dreg:$0x1];
	p0 =	sne.s32 s2, $0x0  }
0x6c: {  	s3 =	rddreg [dreg:$0x2];
	[bflag:$0x3] =	sbarrier.arrive $0xFFFF;
	s2 =	simm.s32 @!p0 $0x1C06  }
0x6d: {  	[timem:s3], [sflag:s2] =	dma.local @!p0 [hbm:s0], s1  }
0x6e: {  	s0 =	simm.s32 @!p0 $0x6  }
0x6f: {  	_ =	swait.ge @!p0 [sflag:s0], s1  }
0x70: {  	s1 =	ssub.s32 @!p0 $0x0, s1;
	[sflag:s0] =	ssyncset.done @!p0 $0x0  }
0x71: {  	[sflag:s0] =	ssyncadd.s32 @!p0 s1  }
0x72: {  	[bflag:$0x3] =	sbarrier.arrive $0xFFFF  }
0x73: {  	_ =	shalt  }

</sc_bundles>
